<compile_context>
chip_gen: v7x
topology: tpu7x:2x2x1
jax: 0.10.2.dev20260603
libtpu: 0.0.44.dev20260713+nightly
codegen_flags: <defaults>
</compile_context>

<pallas_src>
import functools

import jax
import jax.numpy as jnp
from jax import lax
from jax.experimental import pallas as pl
from jax.experimental.pallas import tpu as pltpu
from jax.experimental.pallas import tpu_sc as plsc

_PAIR = 128
_QUART = 262144


def _pack2(a_ref, b_ref):
    au = lax.bitcast_convert_type(
        a_ref[...].T.astype(jnp.bfloat16), jnp.uint16
    ).astype(jnp.uint32)
    bu = lax.bitcast_convert_type(
        b_ref[...].T.astype(jnp.bfloat16), jnp.uint16
    ).astype(jnp.uint32)
    return lax.bitcast_convert_type(au | (bu << 16), jnp.float32)


def _transpose_body(x1_ref, x2_ref, x3_ref, x4_ref, o_ref):
    o_ref[...] = jnp.concatenate(
        [_pack2(x1_ref, x2_ref), _pack2(x3_ref, x4_ref)], axis=1
    )


def _pair_table(tabT, block_k=4096):
    d, v = tabT.shape
    hblk = _QUART // block_k
    last = (v - 1) // block_k

    def mk(s):
        return pl.BlockSpec(
            (d, block_k), lambda i: (0, jnp.minimum(i + s * hblk, last))
        )

    return pl.pallas_call(
        _transpose_body,
        grid=(hblk,),
        in_specs=[mk(0), mk(1), mk(2), mk(3)],
        out_specs=pl.BlockSpec((block_k, _PAIR), lambda i: (i, 0)),
        out_shape=jax.ShapeDtypeStruct((_QUART, _PAIR), jnp.float32),
        compiler_params=pltpu.CompilerParams(
            dimension_semantics=("parallel",)
        ),
    )(tabT, tabT, tabT, tabT)


def _make_sc_gather(vpairs, n, chunks):
    info = plsc.get_sparse_core_info()
    NC, NS = info.num_cores, info.num_subcores
    NW = NC * NS
    assert n % (8 * NW) == 0
    b_per_w = n // NW
    assert b_per_w % chunks == 0
    c_rows = b_per_w // chunks
    mesh = plsc.VectorSubcoreMesh(core_axis_name="c", subcore_axis_name="s")

    @functools.partial(
        pl.kernel,
        mesh=mesh,
        out_type=jax.ShapeDtypeStruct((n, _PAIR), jnp.float32),
        scratch_types=[
            pltpu.VMEM((b_per_w,), jnp.int32),
            pltpu.VMEM((c_rows, _PAIR), jnp.float32),
            pltpu.VMEM((c_rows, _PAIR), jnp.float32),
            pltpu.SemaphoreType.DMA,
            pltpu.SemaphoreType.DMA,
        ],
        compiler_params=pltpu.CompilerParams(use_tc_tiling_on_sc=False),
    )
    def gather(table_hbm, idx_hbm, out_hbm, idx_v, rv0, rv1, gsem, wsem):
        wid = lax.axis_index("s") * NC + lax.axis_index("c")
        base = wid * b_per_w
        bufs = [rv0, rv1]
        pltpu.sync_copy(idx_hbm.at[pl.ds(base, b_per_w)], idx_v)

        def g(c):
            return pltpu.make_async_copy(
                table_hbm.at[idx_v.at[pl.ds(c * c_rows, c_rows)]],
                bufs[c % 2],
                gsem,
            )

        def w(c):
            return pltpu.make_async_copy(
                bufs[c % 2], out_hbm.at[pl.ds(base + c * c_rows, c_rows)],
                wsem,
            )

        g(0).start()
        for c in range(chunks):
            g(c).wait()
            w(c).start()
            if c + 1 < chunks:
                if c >= 1:
                    w(c - 1).wait()
                g(c + 1).start()
        w(chunks - 2).wait()
        w(chunks - 1).wait()

    return gather


def _proj_body(x_ref, p_ref, w_ref, b_ref, o_ref):
    u = lax.bitcast_convert_type(x_ref[...], jnp.uint32)
    lo = lax.bitcast_convert_type(u.astype(jnp.uint16), jnp.bfloat16)
    hi = lax.bitcast_convert_type(
        (u >> 16).astype(jnp.uint16), jnp.bfloat16
    )
    v = p_ref[...]
    xh = jnp.where((v >> 18) % 2 == 1, hi, lo)
    half = jax.lax.broadcasted_iota(jnp.int32, u.shape, 1) // 64
    xsel = jnp.where(half == (v >> 19), xh, jnp.bfloat16(0.0))
    o_ref[...] = (
        jnp.dot(xsel, w_ref[...], preferred_element_type=jnp.float32)
        + b_ref[...]
    )


def _project(emb, parity, W2, b, block_rows=2560):
    n = emb.shape[0]
    h = W2.shape[1]
    return pl.pallas_call(
        _proj_body,
        grid=(n // block_rows,),
        in_specs=[
            pl.BlockSpec((block_rows, _PAIR), lambda i: (i, 0)),
            pl.BlockSpec((block_rows, 1), lambda i: (i, 0)),
            pl.BlockSpec((_PAIR, h), lambda i: (0, 0)),
            pl.BlockSpec((1, h), lambda i: (0, 0)),
        ],
        out_specs=pl.BlockSpec((block_rows, h), lambda i: (i, 0)),
        out_shape=jax.ShapeDtypeStruct((n, h), jnp.float32),
        compiler_params=pltpu.CompilerParams(
            dimension_semantics=("parallel",)
        ),
    )(emb, parity, W2, b.reshape(1, h))


def kernel(text_ids, table, W, b):
    batch, seq = text_ids.shape
    vocab, d = table.shape
    h = W.shape[1]
    idx = text_ids.T.reshape(-1)
    n = idx.shape[0]
    table2 = _pair_table(table.T)
    idx2 = idx & (_QUART - 1)
    parity = idx.reshape(n, 1)
    gather = _make_sc_gather(_QUART, n, chunks=4)
    emb2 = gather(table2, idx2)
    W2 = jnp.concatenate([W, W], axis=0).astype(jnp.bfloat16)
    out = _project(emb2, parity, W2, b)
    return out.reshape(seq, batch, h).transpose(1, 0, 2)

# --- scband reference (transcript-rebuilt; emitter-appended) ---
"""Pipeline reference for scband-text-project-module-25589415149808 (READ-ONLY COPY).

The authoritative reference and input builder live on the scoring server;
editing this copy changes nothing except your own understanding.
"""

import jax, jax.numpy as jnp
import numpy as np

VOCAB = 1000000
EMBED_DIM = 64
PROJ_OUT = 1024
BATCH = 1024
SEQ_LEN = 50

def setup_inputs(seed: int = 0) -> dict:
    key = jax.random.key(seed)
    k_ids, k_tab, k_w, k_b = jax.random.split(key, 4)
    text_ids = jax.random.randint(k_ids, (BATCH, SEQ_LEN), 0, VOCAB, dtype=jnp.int64 if jax.config.jax_enable_x64 else jnp.int32).astype(jnp.int32)
    table = jax.random.normal(k_tab, (VOCAB, EMBED_DIM), dtype=jnp.float32) * 0.02
    W = jax.random.normal(k_w, (EMBED_DIM, PROJ_OUT), dtype=jnp.float32) * (1.0 / np.sqrt(EMBED_DIM))
    b = jnp.zeros((PROJ_OUT,), dtype=jnp.float32)
    return {"text_ids": text_ids, "table": table, "W": W, "b": b}

def reference(text_ids, table, W, b):
    # text_embedding: gather rows from the embedding table
    emb = jnp.take(table, text_ids, axis=0)          # [B, S, EMBED_DIM]
    # text_projection: linear layer to talker hidden size
    projected = jnp.einsum('bse,eh->bsh', emb, W) + b  # [B, S, PROJ_OUT]
    return projected

if __name__ == "__main__":
    import jax
    _d = setup_inputs()
    print(jax.jit(kernel)(*tuple(_d.values())))

</pallas_src>

<mosaic_0001>
#map = affine_map<(d0, d1) -> (0, 0)>
#map1 = affine_map<(d0, d1) -> (0)>
module attributes {stable_mosaic.version = 14 : i64} {
  func.func @gather(%arg0: i32, %arg1: i32, %arg2: memref<262144x128xf32, #tpu.memory_space<hbm>>, %arg3: memref<51200xi32, #tpu.memory_space<hbm>>, %arg4: memref<51200x128xf32, #tpu.memory_space<hbm>>, %arg5: memref<1600xi32, #tpu.memory_space<vmem>>, %arg6: memref<400x128xf32, #tpu.memory_space<vmem>>, %arg7: memref<400x128xf32, #tpu.memory_space<vmem>>, %arg8: memref<!tpu.dma_semaphore, #tpu.memory_space<semaphore_mem>>, %arg9: memref<!tpu.dma_semaphore, #tpu.memory_space<semaphore_mem>>) attributes {dimension_semantics = [#tpu.dimension_semantics<core_parallel>, #tpu.dimension_semantics<subcore_parallel>], iteration_bounds = array<i64: 2, 16>, scalar_prefetch = 0 : i64, scratch_operands = 5 : i64, tpu.core_type = #tpu.core_type<sc_vector_subcore>, window_params = [{transform_indices = #map}, {transform_indices = #map1}, {transform_indices = #map}]} {
    %mul3A = arith.constant 2 : i32
    %mul3A_0 = arith.muli %arg1, %mul3A : i32
    %add3A = arith.addi %mul3A_0, %arg0 : i32
    %mul3A_1 = arith.constant 1600 : i32
    %mul3A_2 = arith.muli %add3A, %mul3A_1 : i32
    "tpu.region"() ({
      %run_scoped3A = tpu.sem_alloc : memref<!tpu.dma_semaphore, #tpu.memory_space<semaphore_mem>>
      %dma_start3A_89 = tpu.memref_slice %arg3[%mul3A_2] : memref<51200xi32, #tpu.memory_space<hbm>> -> memref<1600xi32, #tpu.memory_space<hbm>>
      %dma_start3A_90 = tpu.memref_slice %arg3[%mul3A_2] : memref<51200xi32, #tpu.memory_space<hbm>> -> memref<1600xi32, #tpu.memory_space<hbm>>
      tpu.enqueue_dma source(%dma_start3A_90 : memref<1600xi32, #tpu.memory_space<hbm>>) target(%arg5 : memref<1600xi32, #tpu.memory_space<vmem>>) target_semaphore(%run_scoped3A : memref<!tpu.dma_semaphore, #tpu.memory_space<semaphore_mem>>)
      %dma_wait3A_91 = tpu.memref_slice %arg3[%mul3A_2] : memref<51200xi32, #tpu.memory_space<hbm>> -> memref<1600xi32, #tpu.memory_space<hbm>>
      %dma_wait3A_92 = tpu.memref_slice %arg3[%mul3A_2] : memref<51200xi32, #tpu.memory_space<hbm>> -> memref<1600xi32, #tpu.memory_space<hbm>>
      tpu.wait_dma2 semaphore(%run_scoped3A : memref<!tpu.dma_semaphore, #tpu.memory_space<semaphore_mem>>) src(%dma_wait3A_92 : memref<1600xi32, #tpu.memory_space<hbm>>) dst(%arg5 : memref<1600xi32, #tpu.memory_space<vmem>>)
      tpu.yield
    }) : () -> ()
    %dma_start3A = arith.constant 0 : i32
    %dma_start3A_3 = tpu.memref_slice %arg5[%dma_start3A] : memref<1600xi32, #tpu.memory_space<vmem>> -> memref<400xi32, #tpu.memory_space<vmem>>
    %dma_start3A_4 = arith.constant 0 : i32
    %dma_start3A_5 = arith.constant 0 : i32
    %dma_start3A_6 = tpu.memref_slice %arg2[%dma_start3A_4, %dma_start3A_5] : memref<262144x128xf32, #tpu.memory_space<hbm>> -> memref<262144x128xf32, #tpu.memory_space<hbm>>
    tpu.enqueue_indirect_dma source(%dma_start3A_6 : memref<262144x128xf32, #tpu.memory_space<hbm>>) target(%arg6 : memref<400x128xf32, #tpu.memory_space<vmem>>) offsets(%dma_start3A_3 : memref<400xi32, #tpu.memory_space<vmem>>) semaphore(%arg8 : memref<!tpu.dma_semaphore, #tpu.memory_space<semaphore_mem>>)
    %dma_wait3A = arith.constant 0 : i32
    %dma_wait3A_7 = tpu.memref_slice %arg5[%dma_wait3A] : memref<1600xi32, #tpu.memory_space<vmem>> -> memref<400xi32, #tpu.memory_space<vmem>>
    %dma_wait3A_8 = arith.constant 0 : i32
    %dma_wait3A_9 = arith.constant 0 : i32
    %dma_wait3A_10 = tpu.memref_slice %arg2[%dma_wait3A_8, %dma_wait3A_9] : memref<262144x128xf32, #tpu.memory_space<hbm>> -> memref<262144x128xf32, #tpu.memory_space<hbm>>
    tpu.wait_indirect_dma semaphore(%arg8 : memref<!tpu.dma_semaphore, #tpu.memory_space<semaphore_mem>>) src(%dma_wait3A_10 : memref<262144x128xf32, #tpu.memory_space<hbm>>) dst(%arg6 : memref<400x128xf32, #tpu.memory_space<vmem>>)
    %add3A_11 = arith.constant 0 : i32
    %add3A_12 = arith.addi %mul3A_2, %add3A_11 : i32
    %dma_start3A_13 = arith.constant 0 : i32
    %dma_start3A_14 = tpu.memref_slice %arg4[%add3A_12, %dma_start3A_13] : memref<51200x128xf32, #tpu.memory_space<hbm>> -> memref<400x128xf32, #tpu.memory_space<hbm>>
    %dma_start3A_15 = arith.constant 0 : i32
    %dma_start3A_16 = tpu.memref_slice %arg4[%add3A_12, %dma_start3A_15] : memref<51200x128xf32, #tpu.memory_space<hbm>> -> memref<400x128xf32, #tpu.memory_space<hbm>>
    tpu.enqueue_dma source(%arg6 : memref<400x128xf32, #tpu.memory_space<vmem>>) target(%dma_start3A_16 : memref<400x128xf32, #tpu.memory_space<hbm>>) target_semaphore(%arg9 : memref<!tpu.dma_semaphore, #tpu.memory_space<semaphore_mem>>)
    %dma_start3A_17 = arith.constant 400 : i32
    %dma_start3A_18 = tpu.memref_slice %arg5[%dma_start3A_17] : memref<1600xi32, #tpu.memory_space<vmem>> -> memref<400xi32, #tpu.memory_space<vmem>>
    %dma_start3A_19 = arith.constant 0 : i32
    %dma_start3A_20 = arith.constant 0 : i32
    %dma_start3A_21 = tpu.memref_slice %arg2[%dma_start3A_19, %dma_start3A_20] : memref<262144x128xf32, #tpu.memory_space<hbm>> -> memref<262144x128xf32, #tpu.memory_space<hbm>>
    tpu.enqueue_indirect_dma source(%dma_start3A_21 : memref<262144x128xf32, #tpu.memory_space<hbm>>) target(%arg7 : memref<400x128xf32, #tpu.memory_space<vmem>>) offsets(%dma_start3A_18 : memref<400xi32, #tpu.memory_space<vmem>>) semaphore(%arg8 : memref<!tpu.dma_semaphore, #tpu.memory_space<semaphore_mem>>)
    %dma_wait3A_22 = arith.constant 400 : i32
    %dma_wait3A_23 = tpu.memref_slice %arg5[%dma_wait3A_22] : memref<1600xi32, #tpu.memory_space<vmem>> -> memref<400xi32, #tpu.memory_space<vmem>>
    %dma_wait3A_24 = arith.constant 0 : i32
    %dma_wait3A_25 = arith.constant 0 : i32
    %dma_wait3A_26 = tpu.memref_slice %arg2[%dma_wait3A_24, %dma_wait3A_25] : memref<262144x128xf32, #tpu.memory_space<hbm>> -> memref<262144x128xf32, #tpu.memory_space<hbm>>
    tpu.wait_indirect_dma semaphore(%arg8 : memref<!tpu.dma_semaphore, #tpu.memory_space<semaphore_mem>>) src(%dma_wait3A_26 : memref<262144x128xf32, #tpu.memory_space<hbm>>) dst(%arg7 : memref<400x128xf32, #tpu.memory_space<vmem>>)
    %add3A_27 = arith.constant 400 : i32
    %add3A_28 = arith.addi %mul3A_2, %add3A_27 : i32
    %dma_start3A_29 = arith.constant 0 : i32
    %dma_start3A_30 = tpu.memref_slice %arg4[%add3A_28, %dma_start3A_29] : memref<51200x128xf32, #tpu.memory_space<hbm>> -> memref<400x128xf32, #tpu.memory_space<hbm>>
    %dma_start3A_31 = arith.constant 0 : i32
    %dma_start3A_32 = tpu.memref_slice %arg4[%add3A_28, %dma_start3A_31] : memref<51200x128xf32, #tpu.memory_space<hbm>> -> memref<400x128xf32, #tpu.memory_space<hbm>>
    tpu.enqueue_dma source(%arg7 : memref<400x128xf32, #tpu.memory_space<vmem>>) target(%dma_start3A_32 : memref<400x128xf32, #tpu.memory_space<hbm>>) target_semaphore(%arg9 : memref<!tpu.dma_semaphore, #tpu.memory_space<semaphore_mem>>)
    %add3A_33 = arith.constant 0 : i32
    %add3A_34 = arith.addi %mul3A_2, %add3A_33 : i32
    %dma_wait3A_35 = arith.constant 0 : i32
    %dma_wait3A_36 = tpu.memref_slice %arg4[%add3A_34, %dma_wait3A_35] : memref<51200x128xf32, #tpu.memory_space<hbm>> -> memref<400x128xf32, #tpu.memory_space<hbm>>
    %dma_wait3A_37 = arith.constant 0 : i32
    %dma_wait3A_38 = tpu.memref_slice %arg4[%add3A_34, %dma_wait3A_37] : memref<51200x128xf32, #tpu.memory_space<hbm>> -> memref<400x128xf32, #tpu.memory_space<hbm>>
    tpu.wait_dma2 semaphore(%arg9 : memref<!tpu.dma_semaphore, #tpu.memory_space<semaphore_mem>>) src(%arg6 : memref<400x128xf32, #tpu.memory_space<vmem>>) dst(%dma_wait3A_38 : memref<400x128xf32, #tpu.memory_space<hbm>>)
    %dma_start3A_39 = arith.constant 800 : i32
    %dma_start3A_40 = tpu.memref_slice %arg5[%dma_start3A_39] : memref<1600xi32, #tpu.memory_space<vmem>> -> memref<400xi32, #tpu.memory_space<vmem>>
    %dma_start3A_41 = arith.constant 0 : i32
    %dma_start3A_42 = arith.constant 0 : i32
    %dma_start3A_43 = tpu.memref_slice %arg2[%dma_start3A_41, %dma_start3A_42] : memref<262144x128xf32, #tpu.memory_space<hbm>> -> memref<262144x128xf32, #tpu.memory_space<hbm>>
    tpu.enqueue_indirect_dma source(%dma_start3A_43 : memref<262144x128xf32, #tpu.memory_space<hbm>>) target(%arg6 : memref<400x128xf32, #tpu.memory_space<vmem>>) offsets(%dma_start3A_40 : memref<400xi32, #tpu.memory_space<vmem>>) semaphore(%arg8 : memref<!tpu.dma_semaphore, #tpu.memory_space<semaphore_mem>>)
    %dma_wait3A_44 = arith.constant 800 : i32
    %dma_wait3A_45 = tpu.memref_slice %arg5[%dma_wait3A_44] : memref<1600xi32, #tpu.memory_space<vmem>> -> memref<400xi32, #tpu.memory_space<vmem>>
    %dma_wait3A_46 = arith.constant 0 : i32
    %dma_wait3A_47 = arith.constant 0 : i32
    %dma_wait3A_48 = tpu.memref_slice %arg2[%dma_wait3A_46, %dma_wait3A_47] : memref<262144x128xf32, #tpu.memory_space<hbm>> -> memref<262144x128xf32, #tpu.memory_space<hbm>>
    tpu.wait_indirect_dma semaphore(%arg8 : memref<!tpu.dma_semaphore, #tpu.memory_space<semaphore_mem>>) src(%dma_wait3A_48 : memref<262144x128xf32, #tpu.memory_space<hbm>>) dst(%arg6 : memref<400x128xf32, #tpu.memory_space<vmem>>)
    %add3A_49 = arith.constant 800 : i32
    %add3A_50 = arith.addi %mul3A_2, %add3A_49 : i32
    %dma_start3A_51 = arith.constant 0 : i32
    %dma_start3A_52 = tpu.memref_slice %arg4[%add3A_50, %dma_start3A_51] : memref<51200x128xf32, #tpu.memory_space<hbm>> -> memref<400x128xf32, #tpu.memory_space<hbm>>
    %dma_start3A_53 = arith.constant 0 : i32
    %dma_start3A_54 = tpu.memref_slice %arg4[%add3A_50, %dma_start3A_53] : memref<51200x128xf32, #tpu.memory_space<hbm>> -> memref<400x128xf32, #tpu.memory_space<hbm>>
    tpu.enqueue_dma source(%arg6 : memref<400x128xf32, #tpu.memory_space<vmem>>) target(%dma_start3A_54 : memref<400x128xf32, #tpu.memory_space<hbm>>) target_semaphore(%arg9 : memref<!tpu.dma_semaphore, #tpu.memory_space<semaphore_mem>>)
    %add3A_55 = arith.constant 400 : i32
    %add3A_56 = arith.addi %mul3A_2, %add3A_55 : i32
    %dma_wait3A_57 = arith.constant 0 : i32
    %dma_wait3A_58 = tpu.memref_slice %arg4[%add3A_56, %dma_wait3A_57] : memref<51200x128xf32, #tpu.memory_space<hbm>> -> memref<400x128xf32, #tpu.memory_space<hbm>>
    %dma_wait3A_59 = arith.constant 0 : i32
    %dma_wait3A_60 = tpu.memref_slice %arg4[%add3A_56, %dma_wait3A_59] : memref<51200x128xf32, #tpu.memory_space<hbm>> -> memref<400x128xf32, #tpu.memory_space<hbm>>
    tpu.wait_dma2 semaphore(%arg9 : memref<!tpu.dma_semaphore, #tpu.memory_space<semaphore_mem>>) src(%arg7 : memref<400x128xf32, #tpu.memory_space<vmem>>) dst(%dma_wait3A_60 : memref<400x128xf32, #tpu.memory_space<hbm>>)
    %dma_start3A_61 = arith.constant 1200 : i32
    %dma_start3A_62 = tpu.memref_slice %arg5[%dma_start3A_61] : memref<1600xi32, #tpu.memory_space<vmem>> -> memref<400xi32, #tpu.memory_space<vmem>>
    %dma_start3A_63 = arith.constant 0 : i32
    %dma_start3A_64 = arith.constant 0 : i32
    %dma_start3A_65 = tpu.memref_slice %arg2[%dma_start3A_63, %dma_start3A_64] : memref<262144x128xf32, #tpu.memory_space<hbm>> -> memref<262144x128xf32, #tpu.memory_space<hbm>>
    tpu.enqueue_indirect_dma source(%dma_start3A_65 : memref<262144x128xf32, #tpu.memory_space<hbm>>) target(%arg7 : memref<400x128xf32, #tpu.memory_space<vmem>>) offsets(%dma_start3A_62 : memref<400xi32, #tpu.memory_space<vmem>>) semaphore(%arg8 : memref<!tpu.dma_semaphore, #tpu.memory_space<semaphore_mem>>)
    %dma_wait3A_66 = arith.constant 1200 : i32
    %dma_wait3A_67 = tpu.memref_slice %arg5[%dma_wait3A_66] : memref<1600xi32, #tpu.memory_space<vmem>> -> memref<400xi32, #tpu.memory_space<vmem>>
    %dma_wait3A_68 = arith.constant 0 : i32
    %dma_wait3A_69 = arith.constant 0 : i32
    %dma_wait3A_70 = tpu.memref_slice %arg2[%dma_wait3A_68, %dma_wait3A_69] : memref<262144x128xf32, #tpu.memory_space<hbm>> -> memref<262144x128xf32, #tpu.memory_space<hbm>>
    tpu.wait_indirect_dma semaphore(%arg8 : memref<!tpu.dma_semaphore, #tpu.memory_space<semaphore_mem>>) src(%dma_wait3A_70 : memref<262144x128xf32, #tpu.memory_space<hbm>>) dst(%arg7 : memref<400x128xf32, #tpu.memory_space<vmem>>)
    %add3A_71 = arith.constant 1200 : i32
    %add3A_72 = arith.addi %mul3A_2, %add3A_71 : i32
    %dma_start3A_73 = arith.constant 0 : i32
    %dma_start3A_74 = tpu.memref_slice %arg4[%add3A_72, %dma_start3A_73] : memref<51200x128xf32, #tpu.memory_space<hbm>> -> memref<400x128xf32, #tpu.memory_space<hbm>>
    %dma_start3A_75 = arith.constant 0 : i32
    %dma_start3A_76 = tpu.memref_slice %arg4[%add3A_72, %dma_start3A_75] : memref<51200x128xf32, #tpu.memory_space<hbm>> -> memref<400x128xf32, #tpu.memory_space<hbm>>
    tpu.enqueue_dma source(%arg7 : memref<400x128xf32, #tpu.memory_space<vmem>>) target(%dma_start3A_76 : memref<400x128xf32, #tpu.memory_space<hbm>>) target_semaphore(%arg9 : memref<!tpu.dma_semaphore, #tpu.memory_space<semaphore_mem>>)
    %add3A_77 = arith.constant 800 : i32
    %add3A_78 = arith.addi %mul3A_2, %add3A_77 : i32
    %dma_wait3A_79 = arith.constant 0 : i32
    %dma_wait3A_80 = tpu.memref_slice %arg4[%add3A_78, %dma_wait3A_79] : memref<51200x128xf32, #tpu.memory_space<hbm>> -> memref<400x128xf32, #tpu.memory_space<hbm>>
    %dma_wait3A_81 = arith.constant 0 : i32
    %dma_wait3A_82 = tpu.memref_slice %arg4[%add3A_78, %dma_wait3A_81] : memref<51200x128xf32, #tpu.memory_space<hbm>> -> memref<400x128xf32, #tpu.memory_space<hbm>>
    tpu.wait_dma2 semaphore(%arg9 : memref<!tpu.dma_semaphore, #tpu.memory_space<semaphore_mem>>) src(%arg6 : memref<400x128xf32, #tpu.memory_space<vmem>>) dst(%dma_wait3A_82 : memref<400x128xf32, #tpu.memory_space<hbm>>)
    %add3A_83 = arith.constant 1200 : i32
    %add3A_84 = arith.addi %mul3A_2, %add3A_83 : i32
    %dma_wait3A_85 = arith.constant 0 : i32
    %dma_wait3A_86 = tpu.memref_slice %arg4[%add3A_84, %dma_wait3A_85] : memref<51200x128xf32, #tpu.memory_space<hbm>> -> memref<400x128xf32, #tpu.memory_space<hbm>>
    %dma_wait3A_87 = arith.constant 0 : i32
    %dma_wait3A_88 = tpu.memref_slice %arg4[%add3A_84, %dma_wait3A_87] : memref<51200x128xf32, #tpu.memory_space<hbm>> -> memref<400x128xf32, #tpu.memory_space<hbm>>
    tpu.wait_dma2 semaphore(%arg9 : memref<!tpu.dma_semaphore, #tpu.memory_space<semaphore_mem>>) src(%arg7 : memref<400x128xf32, #tpu.memory_space<vmem>>) dst(%dma_wait3A_88 : memref<400x128xf32, #tpu.memory_space<hbm>>)
    return
  }
}

module attributes {stable_mosaic.version = 14 : i64} {
  func.func @_transpose_body(%arg0: i32, %arg1: memref<64x4096xf32, #tpu.memory_space<vmem>>, %arg2: memref<64x4096xf32, #tpu.memory_space<vmem>>, %arg3: memref<64x4096xf32, #tpu.memory_space<vmem>>, %arg4: memref<64x4096xf32, #tpu.memory_space<vmem>>, %arg5: memref<4096x128xf32, #tpu.memory_space<vmem>>) attributes {dimension_semantics = [#tpu.dimension_semantics<parallel>], iteration_bounds = array<i64: 64>, scalar_prefetch = 0 : i64, scratch_operands = 0 : i64, tpu.core_type = #tpu.core_type<tc>, window_params = [{transform_indices = @transform_0, window_bounds = array<i64: 64, 4096>}, {transform_indices = @transform_1, window_bounds = array<i64: 64, 4096>}, {transform_indices = @transform_2, window_bounds = array<i64: 64, 4096>}, {transform_indices = @transform_3, window_bounds = array<i64: 64, 4096>}, {transform_indices = @transform_4, window_bounds = array<i64: 4096, 128>}]} {
    %get3A = arith.constant 0 : index
    %get3A_0 = arith.constant 0 : index
    %get3A_1 = vector.load %arg1[%get3A, %get3A_0] : memref<64x4096xf32, #tpu.memory_space<vmem>>, vector<64x4096xf32>
    %transpose3A = tpu.transpose %get3A_1, [1, 0] : vector<64x4096xf32> -> vector<4096x64xf32>
    %convert_element_type3A = arith.truncf %transpose3A : vector<4096x64xf32> to vector<4096x64xbf16>
    %bitcast_convert_type3A = tpu.bitcast %convert_element_type3A : vector<4096x64xbf16> -> vector<4096x64xi16>
    %convert_element_type3A_2 = arith.extui %bitcast_convert_type3A : vector<4096x64xi16> to vector<4096x64xi32>
    %get3A_3 = arith.constant 0 : index
    %get3A_4 = arith.constant 0 : index
    %get3A_5 = vector.load %arg2[%get3A_3, %get3A_4] : memref<64x4096xf32, #tpu.memory_space<vmem>>, vector<64x4096xf32>
    %transpose3A_6 = tpu.transpose %get3A_5, [1, 0] : vector<64x4096xf32> -> vector<4096x64xf32>
    %convert_element_type3A_7 = arith.truncf %transpose3A_6 : vector<4096x64xf32> to vector<4096x64xbf16>
    %bitcast_convert_type3A_8 = tpu.bitcast %convert_element_type3A_7 : vector<4096x64xbf16> -> vector<4096x64xi16>
    %convert_element_type3A_9 = arith.extui %bitcast_convert_type3A_8 : vector<4096x64xi16> to vector<4096x64xi32>
    %shift_left3A = arith.constant 16 : i32
    %shift_left3A_10 = vector.broadcast %shift_left3A : i32 to vector<4096x64xi32>
    %shift_left3A_11 = arith.shli %convert_element_type3A_9, %shift_left3A_10 : vector<4096x64xi32>
    %or3A = arith.ori %convert_element_type3A_2, %shift_left3A_11 : vector<4096x64xi32>
    %bitcast_convert_type3A_12 = tpu.bitcast %or3A : vector<4096x64xi32> -> vector<4096x64xf32>
    %get3A_13 = arith.constant 0 : index
    %get3A_14 = arith.constant 0 : index
    %get3A_15 = vector.load %arg3[%get3A_13, %get3A_14] : memref<64x4096xf32, #tpu.memory_space<vmem>>, vector<64x4096xf32>
    %transpose3A_16 = tpu.transpose %get3A_15, [1, 0] : vector<64x4096xf32> -> vector<4096x64xf32>
    %convert_element_type3A_17 = arith.truncf %transpose3A_16 : vector<4096x64xf32> to vector<4096x64xbf16>
    %bitcast_convert_type3A_18 = tpu.bitcast %convert_element_type3A_17 : vector<4096x64xbf16> -> vector<4096x64xi16>
    %convert_element_type3A_19 = arith.extui %bitcast_convert_type3A_18 : vector<4096x64xi16> to vector<4096x64xi32>
    %get3A_20 = arith.constant 0 : index
    %get3A_21 = arith.constant 0 : index
    %get3A_22 = vector.load %arg4[%get3A_20, %get3A_21] : memref<64x4096xf32, #tpu.memory_space<vmem>>, vector<64x4096xf32>
    %transpose3A_23 = tpu.transpose %get3A_22, [1, 0] : vector<64x4096xf32> -> vector<4096x64xf32>
    %convert_element_type3A_24 = arith.truncf %transpose3A_23 : vector<4096x64xf32> to vector<4096x64xbf16>
    %bitcast_convert_type3A_25 = tpu.bitcast %convert_element_type3A_24 : vector<4096x64xbf16> -> vector<4096x64xi16>
    %convert_element_type3A_26 = arith.extui %bitcast_convert_type3A_25 : vector<4096x64xi16> to vector<4096x64xi32>
    %shift_left3A_27 = arith.constant 16 : i32
    %shift_left3A_28 = vector.broadcast %shift_left3A_27 : i32 to vector<4096x64xi32>
    %shift_left3A_29 = arith.shli %convert_element_type3A_26, %shift_left3A_28 : vector<4096x64xi32>
    %or3A_30 = arith.ori %convert_element_type3A_19, %shift_left3A_29 : vector<4096x64xi32>
    %bitcast_convert_type3A_31 = tpu.bitcast %or3A_30 : vector<4096x64xi32> -> vector<4096x64xf32>
    %concatenate3A = tpu.concatenate %bitcast_convert_type3A_12, %bitcast_convert_type3A_31 in 1 : vector<4096x64xf32>, vector<4096x64xf32> -> vector<4096x128xf32>
    %swap3A = arith.constant 0 : index
    %swap3A_32 = arith.constant 0 : index
    %swap3A_33 = vector.load %arg5[%swap3A, %swap3A_32] : memref<4096x128xf32, #tpu.memory_space<vmem>>, vector<4096x128xf32>
    tpu.vector_store %arg5[%swap3A, %swap3A_32], %concatenate3A {strides = array<i32>} : memref<4096x128xf32, #tpu.memory_space<vmem>>, vector<4096x128xf32>,
    return
  }
  func.func @transform_0(%arg0: i32) -> (i32, i32) {
    %add3A = arith.constant 0 : i32
    %add3A_0 = arith.addi %arg0, %add3A : i32
    %min3A = arith.constant 244 : i32
    %min3A_1 = arith.minsi %add3A_0, %min3A : i32
    %c0_i32 = arith.constant 0 : i32
    %c0_i32_2 = arith.constant 0 : i32
    return %c0_i32, %min3A_1 : i32, i32
  }
  func.func @transform_1(%arg0: i32) -> (i32, i32) {
    %add3A = arith.constant 64 : i32
    %add3A_0 = arith.addi %arg0, %add3A : i32
    %min3A = arith.constant 244 : i32
    %min3A_1 = arith.minsi %add3A_0, %min3A : i32
    %c0_i32 = arith.constant 0 : i32
    %c0_i32_2 = arith.constant 0 : i32
    return %c0_i32, %min3A_1 : i32, i32
  }
  func.func @transform_2(%arg0: i32) -> (i32, i32) {
    %add3A = arith.constant 128 : i32
    %add3A_0 = arith.addi %arg0, %add3A : i32
    %min3A = arith.constant 244 : i32
    %min3A_1 = arith.minsi %add3A_0, %min3A : i32
    %c0_i32 = arith.constant 0 : i32
    %c0_i32_2 = arith.constant 0 : i32
    return %c0_i32, %min3A_1 : i32, i32
  }
  func.func @transform_3(%arg0: i32) -> (i32, i32) {
    %add3A = arith.constant 192 : i32
    %add3A_0 = arith.addi %arg0, %add3A : i32
    %min3A = arith.constant 244 : i32
    %min3A_1 = arith.minsi %add3A_0, %min3A : i32
    %c0_i32 = arith.constant 0 : i32
    %c0_i32_2 = arith.constant 0 : i32
    return %c0_i32, %min3A_1 : i32, i32
  }
  func.func @transform_4(%arg0: i32) -> (i32, i32) {
    %c0_i32 = arith.constant 0 : i32
    %c0_i32_0 = arith.constant 0 : i32
    return %arg0, %c0_i32 : i32, i32
  }
}

module attributes {stable_mosaic.version = 14 : i64} {
  func.func @_proj_body(%arg0: i32, %arg1: memref<2560x128xf32, #tpu.memory_space<vmem>>, %arg2: memref<2560x1xi32, #tpu.memory_space<vmem>>, %arg3: memref<128x1024xbf16, #tpu.memory_space<vmem>>, %arg4: memref<1x1024xf32, #tpu.memory_space<vmem>>, %arg5: memref<2560x1024xf32, #tpu.memory_space<vmem>>) attributes {dimension_semantics = [#tpu.dimension_semantics<parallel>], iteration_bounds = array<i64: 20>, scalar_prefetch = 0 : i64, scratch_operands = 0 : i64, tpu.core_type = #tpu.core_type<tc>, window_params = [{transform_indices = @transform_0, window_bounds = array<i64: 2560, 128>}, {transform_indices = @transform_1, window_bounds = array<i64: 2560, 1>}, {pipeline_mode = #tpu.pipeline_mode<synchronous>, transform_indices = @transform_2, window_bounds = array<i64: 128, 1024>}, {pipeline_mode = #tpu.pipeline_mode<synchronous>, transform_indices = @transform_3, window_bounds = array<i64: 1, 1024>}, {transform_indices = @transform_4, window_bounds = array<i64: 2560, 1024>}]} {
    %get3A = arith.constant 0 : index
    %get3A_0 = arith.constant 0 : index
    %get3A_1 = vector.load %arg1[%get3A, %get3A_0] : memref<2560x128xf32, #tpu.memory_space<vmem>>, vector<2560x128xf32>
    %bitcast_convert_type3A = tpu.bitcast %get3A_1 : vector<2560x128xf32> -> vector<2560x128xi32>
    %convert_element_type3A = arith.trunci %bitcast_convert_type3A : vector<2560x128xi32> to vector<2560x128xi16>
    %bitcast_convert_type3A_2 = tpu.bitcast %convert_element_type3A : vector<2560x128xi16> -> vector<2560x128xbf16>
    %shift_right_logical3A = arith.constant 16 : i32
    %shift_right_logical3A_3 = vector.broadcast %shift_right_logical3A : i32 to vector<2560x128xi32>
    %shift_right_logical3A_4 = arith.shrui %bitcast_convert_type3A, %shift_right_logical3A_3 : vector<2560x128xi32>
    %convert_element_type3A_5 = arith.trunci %shift_right_logical3A_4 : vector<2560x128xi32> to vector<2560x128xi16>
    %bitcast_convert_type3A_6 = tpu.bitcast %convert_element_type3A_5 : vector<2560x128xi16> -> vector<2560x128xbf16>
    %get3A_7 = arith.constant 0 : index
    %get3A_8 = arith.constant 0 : index
    %get3A_9 = vector.load %arg2[%get3A_7, %get3A_8] : memref<2560x1xi32, #tpu.memory_space<vmem>>, vector<2560x1xi32>
    %shift_right_arithmetic3A = arith.constant 18 : i32
    %shift_right_arithmetic3A_10 = vector.broadcast %shift_right_arithmetic3A : i32 to vector<2560x1xi32>
    %shift_right_arithmetic3A_11 = arith.shrsi %get3A_9, %shift_right_arithmetic3A_10 : vector<2560x1xi32>
    %jit3A = arith.constant 2 : i32
    %eq3A = arith.constant 0 : i32
    %eq3A_12 = arith.cmpi eq, %jit3A, %eq3A : i32
    %jit3A_13 = arith.constant 1 : i32
    %select_n3A = arith.select %eq3A_12, %jit3A_13, %jit3A : i32
    %rem3A = vector.broadcast %select_n3A : i32 to vector<2560x1xi32>
    %rem3A_14 = arith.remsi %shift_right_arithmetic3A_11, %rem3A : vector<2560x1xi32>
    %ne3A = arith.constant 0 : i32
    %ne3A_15 = vector.broadcast %ne3A : i32 to vector<2560x1xi32>
    %ne3A_16 = arith.cmpi ne, %rem3A_14, %ne3A_15 : vector<2560x1xi32>
    %lt3A = arith.constant 0 : i32
    %lt3A_17 = vector.broadcast %lt3A : i32 to vector<2560x1xi32>
    %lt3A_18 = arith.cmpi slt, %rem3A_14, %lt3A_17 : vector<2560x1xi32>
    %lt3A_19 = arith.constant 0 : i32
    %lt3A_20 = arith.cmpi slt, %select_n3A, %lt3A_19 : i32
    %ne3A_21 = vector.broadcast %lt3A_20 : i1 to vector<2560x1xi1>
    %ne3A_22 = vector.broadcast %ne3A_21 : vector<2560x1xi1> to vector<2560x1xi1>
    %ne3A_23 = arith.xori %lt3A_18, %ne3A_22 : vector<2560x1xi1>
    %and3A = arith.andi %ne3A_23, %ne3A_16 : vector<2560x1xi1>
    %add3A = vector.broadcast %select_n3A : i32 to vector<2560x1xi32>
    %add3A_24 = arith.addi %rem3A_14, %add3A : vector<2560x1xi32>
    %select_n3A_25 = arith.select %and3A, %add3A_24, %rem3A_14 : vector<2560x1xi1>, vector<2560x1xi32>
    %eq3A_26 = arith.constant 1 : i32
    %eq3A_27 = vector.broadcast %eq3A_26 : i32 to vector<2560x1xi32>
    %eq3A_28 = arith.cmpi eq, %select_n3A_25, %eq3A_27 : vector<2560x1xi32>
    %broadcast_in_dim3A = vector.shape_cast %eq3A_28 : vector<2560x1xi1> to vector<2560x1xi1>
    %broadcast_in_dim3A_29 = vector.broadcast %broadcast_in_dim3A : vector<2560x1xi1> to vector<2560x128xi1>
    %select_n3A_30 = arith.select %broadcast_in_dim3A_29, %bitcast_convert_type3A_6, %bitcast_convert_type3A_2 : vector<2560x128xi1>, vector<2560x128xbf16>
    %iota3A = tpu.iota {dimensions = array<i32: 1>} : vector<2560x128xi32>
    %jit3A_31 = arith.constant 64 : i32
    %div3A = vector.broadcast %jit3A_31 : i32 to vector<2560x128xi32>
    %div3A_32 = arith.divsi %iota3A, %div3A : vector<2560x128xi32>
    %sign3A = arith.constant 0 : i32
    %sign3A_33 = vector.broadcast %sign3A : i32 to vector<2560x128xi32>
    %sign3A_34 = arith.cmpi sgt, %iota3A, %sign3A_33 : vector<2560x128xi32>
    %sign3A_35 = arith.extui %sign3A_34 : vector<2560x128xi1> to vector<2560x128xi32>
    %sign3A_36 = arith.constant 0 : i32
    %sign3A_37 = vector.broadcast %sign3A_36 : i32 to vector<2560x128xi32>
    %sign3A_38 = arith.cmpi slt, %iota3A, %sign3A_37 : vector<2560x128xi32>
    %sign3A_39 = arith.extui %sign3A_38 : vector<2560x128xi1> to vector<2560x128xi32>
    %sign3A_40 = arith.subi %sign3A_35, %sign3A_39 : vector<2560x128xi32>
    %sign3A_41 = arith.constant 0 : i32
    %sign3A_42 = arith.cmpi sgt, %jit3A_31, %sign3A_41 : i32
    %sign3A_43 = arith.extui %sign3A_42 : i1 to i32
    %sign3A_44 = arith.constant 0 : i32
    %sign3A_45 = arith.cmpi slt, %jit3A_31, %sign3A_44 : i32
    %sign3A_46 = arith.extui %sign3A_45 : i1 to i32
    %sign3A_47 = arith.subi %sign3A_43, %sign3A_46 : i32
    %ne3A_48 = vector.broadcast %sign3A_47 : i32 to vector<2560x128xi32>
    %ne3A_49 = arith.cmpi ne, %sign3A_40, %ne3A_48 : vector<2560x128xi32>
    %rem3A_50 = vector.broadcast %jit3A_31 : i32 to vector<2560x128xi32>
    %rem3A_51 = arith.remsi %iota3A, %rem3A_50 : vector<2560x128xi32>
    %ne3A_52 = arith.constant 0 : i32
    %ne3A_53 = vector.broadcast %ne3A_52 : i32 to vector<2560x128xi32>
    %ne3A_54 = arith.cmpi ne, %rem3A_51, %ne3A_53 : vector<2560x128xi32>
    %and3A_55 = arith.andi %ne3A_49, %ne3A_54 : vector<2560x128xi1>
    %sub3A = arith.constant 1 : i32
    %sub3A_56 = vector.broadcast %sub3A : i32 to vector<2560x128xi32>
    %sub3A_57 = arith.subi %div3A_32, %sub3A_56 : vector<2560x128xi32>
    %select_n3A_58 = arith.select %and3A_55, %sub3A_57, %div3A_32 : vector<2560x128xi1>, vector<2560x128xi32>
    %shift_right_arithmetic3A_59 = arith.constant 19 : i32
    %shift_right_arithmetic3A_60 = vector.broadcast %shift_right_arithmetic3A_59 : i32 to vector<2560x1xi32>
    %shift_right_arithmetic3A_61 = arith.shrsi %get3A_9, %shift_right_arithmetic3A_60 : vector<2560x1xi32>
    %eq3A_62 = vector.broadcast %shift_right_arithmetic3A_61 : vector<2560x1xi32> to vector<2560x128xi32>
    %eq3A_63 = arith.cmpi eq, %select_n3A_58, %eq3A_62 : vector<2560x128xi32>
    %jit3A_64 = arith.constant 0.000000e+00 : bf16
    %broadcast_in_dim3A_65 = vector.broadcast %jit3A_64 : bf16 to vector<2560x128xbf16>
    %select_n3A_66 = arith.select %eq3A_63, %select_n3A_30, %broadcast_in_dim3A_65 : vector<2560x128xi1>, vector<2560x128xbf16>
    %get3A_67 = arith.constant 0 : index
    %get3A_68 = arith.constant 0 : index
    %get3A_69 = vector.load %arg3[%get3A_67, %get3A_68] : memref<128x1024xbf16, #tpu.memory_space<vmem>>, vector<128x1024xbf16>
    %dot_general3A = arith.constant dense<0.000000e+00> : vector<2560x1024xf32>
    %dot_general3A_70 = tpu.matmul %select_n3A_66, %get3A_69, %dot_general3A {dimension_numbers = #tpu.dot_dimension_numbers<[1], [0], [0], [1], [0, 0, 1, 1], [], []>, transpose_lhs_hint = false} : vector<2560x128xbf16>, vector<128x1024xbf16>, vector<2560x1024xf32> -> vector<2560x1024xf32>
    %get3A_71 = arith.constant 0 : index
    %get3A_72 = arith.constant 0 : index
    %get3A_73 = vector.load %arg4[%get3A_71, %get3A_72] : memref<1x1024xf32, #tpu.memory_space<vmem>>, vector<1x1024xf32>
    %add3A_74 = vector.broadcast %get3A_73 : vector<1x1024xf32> to vector<2560x1024xf32>
    %add3A_75 = arith.addf %dot_general3A_70, %add3A_74 : vector<2560x1024xf32>
    %swap3A = arith.constant 0 : index
    %swap3A_76 = arith.constant 0 : index
    %swap3A_77 = vector.load %arg5[%swap3A, %swap3A_76] : memref<2560x1024xf32, #tpu.memory_space<vmem>>, vector<2560x1024xf32>
    tpu.vector_store %arg5[%swap3A, %swap3A_76], %add3A_75 {strides = array<i32>} : memref<2560x1024xf32, #tpu.memory_space<vmem>>, vector<2560x1024xf32>,
    return
  }
  func.func @transform_0(%arg0: i32) -> (i32, i32) {
    %c0_i32 = arith.constant 0 : i32
    %c0_i32_0 = arith.constant 0 : i32
    return %arg0, %c0_i32 : i32, i32
  }
  func.func @transform_1(%arg0: i32) -> (i32, i32) {
    %c0_i32 = arith.constant 0 : i32
    %c0_i32_0 = arith.constant 0 : i32
    return %arg0, %c0_i32 : i32, i32
  }
  func.func @transform_2(%arg0: i32) -> (i32, i32) {
    %c0_i32 = arith.constant 0 : i32
    %c0_i32_0 = arith.constant 0 : i32
    %c0_i32_1 = arith.constant 0 : i32
    return %c0_i32, %c0_i32_0 : i32, i32
  }
  func.func @transform_3(%arg0: i32) -> (i32, i32) {
    %c0_i32 = arith.constant 0 : i32
    %c0_i32_0 = arith.constant 0 : i32
    %c0_i32_1 = arith.constant 0 : i32
    return %c0_i32, %c0_i32_0 : i32, i32
  }
  func.func @transform_4(%arg0: i32) -> (i32, i32) {
    %c0_i32 = arith.constant 0 : i32
    %c0_i32_0 = arith.constant 0 : i32
    return %arg0, %c0_i32 : i32, i32
  }
}

</mosaic_0001>

<sc_bundles>
// kernel: kernel.5.cloned.1.call-start
scs
__scs_entry_jumppad:
0x0: {  	(pc) =	sbr.rel $0x88, $3  }
0x1: {  	(tag) =	ssettag $0x0;
	lr =	simm.s32 $0x1  }
0x2: {  	[smem:$0x3F9D] =	sst lr;
	_ =	strace $0xD0000000  }
0x3: {  	_ = 	snop  }
0x4: {  	_ = 	snop  }
0x5: {  	_ = 	snop  }
0x6: {  	_ = 	snop  }
0x7: {  	_ = 	snop  }
__scs_overlays_trampoline_lowered:
0x8: {  	[smem:$0x3FAC] =	sst s0  }
0x9: {  	[smem:$0x3FAD] =	sst s1  }
0xa: {  	[smem:$0x3FAE] =	sst s2  }
0xb: {  	[smem:$0x3FAF] =	sst s3  }
0xc: {  	[smem:$0x3FB0] =	sst s4  }
0xd: {  	[smem:$0x3FB1] =	sst s5  }
0xe: {  	[smem:$0x3FB2] =	sst s6  }
0xf: {  	[smem:$0x3FB3] =	sst s7  }
0x10: {  	[smem:$0x3FB4] =	sst s8  }
0x11: {  	[smem:$0x3FB5] =	sst s9;
	s0 =	simm.s32 @!p0 $0x0  }
0x12: {  	s1 =	sld [smem:$0x3F9B];
	s0 =	simm.s32 @p0 $0x1  }
0x13: {  	[smem:$0x3FB6] =	sst s0;
	s0 =	simm.s32 @!p1 $0x0  }
0x14: {  	s2 =	sld [smem:$0x3F9A];
	s0 =	simm.s32 @p1 $0x1  }
0x15: {  	[smem:$0x3FB7] =	sst s0;
	s0 =	simm.s32 @!p2 $0x0  }
0x16: {  	s3 =	sld [smem:$0x3FDB];
	s0 =	simm.s32 @p2 $0x1  }
0x17: {  	s4 =	simm.s32 $0x1BF5;
	[smem:$0x3FB9] =	sst s0  }
0x18: {  	s0 =	sld [smem:$0x3F9C];
	_ =	swait.ge [sflag:s4], $0x0  }
0x19: {  	s7 =	sld [smem:$0x3F9D]  }
0x1a: {  	s8 =	sadd.s32 $0xFFFFE003, lr  }
0x1b: {  	s9 =	sadd.s32 $0xFFFFFEF7, lr;
	s5 =	simm.s32 $0xFFFFFFFF;
	p2 =	slt.u32 s8, $0xFFFFF086  }
0x1c: {  	p1 =	slt.u32 s9, $0xF7A;
	s5 =	simm.s32 @!p2 $0x0  }
0x1d: {  	s5 =	simm.s32 @p1 $0x1;
	p0 =	seq.s32 s7, s2  }
0x1e: {  	s7 =	smul.u32 @!p0 $0xF7A, s2;
	p2 =	seq.s32 @!p0 s5, $0x0  }
0x1f: {  	s9 =	smul.u32 $0xF7A, s1;
	s8 =	simm.s32 @!p0 $0x1BF5;
	p2 =	por !p2, p0  }
0x20: {  	[sflag:s8] =	ssyncset.s32 @!p0 $0xFFFFF086;
	s6 =	sadd.s32 @!p0 s3, s7;
	s7 =	simm.s32 @!p0 $0x108  }
0x21: {  	s3 =	sadd.s32 s3, s9;
	s6 =	sadd.s32 @!p0 $0x88, s6;
	s7 =	simm.s32 @p2 $0x1082  }
0x22: {  	[simem:s7], [sflag:s8] =	dma.local @!p0 [hbm:s6], $0xF7A  }
0x23: {  	s9 =	sor.u32 $0xD0000000, s2;
	s6 =	simm.s32 $0x108;
	_ =	swait.ge @!p0 [sflag:s8], $0x0  }
0x24: {  	s3 =	sadd.s32 $0x88, s3;
	s6 =	simm.s32 @!p1 $0x1082;
	[sflag:s4] =	ssyncset.s32 $0xFFFFF086  }
0x25: {  	[simem:s6], [sflag:s4] =	dma.local [hbm:s3], $0xF7A  }
0x26: {  	[smem:$0x3F9D] =	sst s1;
	(tag) =	ssettag s2;
	_ =	strace s9  }
0x27: {  	s1 =	sld [smem:$0x3FAD]  }
0x28: {  	s2 =	sld [smem:$0x3FAE]  }
0x29: {  	s4 =	sld [smem:$0x3FB0]  }
0x2a: {  	p0 =	seq.s32 s5, $0x0;
	s5 =	sld [smem:$0x3FB1]  }
0x2b: {  	s6 =	sld [smem:$0x3FB2]  }
0x2c: {  	s7 =	sld [smem:$0x3FB3]  }
0x2d: {  	s3 =	simm.s32 $0x108;
	s8 =	sld [smem:$0x3FB4]  }
0x2e: {  	s3 =	simm.s32 @!p0 $0x1082;
	s9 =	sld [smem:$0x3FB5]  }
0x2f: {  	lr =	sadd.s32 s0, s3;
	s0 =	sld [smem:$0x3FAC]  }
0x30: {  	s3 =	sld [smem:$0x3FAF]  }
0x31: {  	[smem:$0x3FB8] =	sst s10  }
0x32: {  	s10 =	sld [smem:$0x3FB6];
	_ =	sdelay $0x3  }
0x33: {  	p0 =	seq.s32 s10, $0x1;
	s10 =	sld [smem:$0x3FB8];
	_ =	sdelay $0x3  }
0x34: {  	[smem:$0x3FB8] =	sst s10  }
0x35: {  	s10 =	sld [smem:$0x3FB7];
	_ =	sdelay $0x3  }
0x36: {  	p1 =	seq.s32 s10, $0x1;
	s10 =	sld [smem:$0x3FB8];
	_ =	sdelay $0x3  }
0x37: {  	[smem:$0x3FB8] =	sst s10  }
0x38: {  	s10 =	sld [smem:$0x3FB9]  }
0x39: {  	_ = 	snop;
	(pc) =	sbr.ind lr, $3  }
0x3a: {  	_ = 	snop  }
0x3b: {  	_ = 	snop  }
0x3c: {  	p2 =	seq.s32 s10, $0x1;
	s10 =	sld [smem:$0x3FB8]  }
0x3d: {  	_ =	shalt  }
0x3e: {  	_ =	shalt  }
0x3f: {  	_ =	shalt  }
0x40: {  	_ =	shalt  }
0x41: {  	_ =	shalt  }
0x42: {  	_ =	shalt  }
0x43: {  	_ =	shalt  }
0x44: {  	_ =	shalt  }
0x45: {  	_ =	shalt  }
0x46: {  	_ =	shalt  }
0x47: {  	_ =	shalt  }
0x48: {  	_ =	shalt  }
0x49: {  	_ =	shalt  }
0x4a: {  	_ =	shalt  }
0x4b: {  	_ =	shalt  }
0x4c: {  	_ =	shalt  }
0x4d: {  	_ =	shalt  }
0x4e: {  	_ =	shalt  }
0x4f: {  	_ =	shalt  }
0x50: {  	_ =	shalt  }
0x51: {  	_ =	shalt  }
0x52: {  	_ =	shalt  }
0x53: {  	_ =	shalt  }
0x54: {  	_ =	shalt  }
0x55: {  	_ =	shalt  }
0x56: {  	_ =	shalt  }
0x57: {  	_ =	shalt  }
0x58: {  	_ =	shalt  }
0x59: {  	_ =	shalt  }
0x5a: {  	_ =	shalt  }
0x5b: {  	_ =	shalt  }
0x5c: {  	_ =	shalt  }
0x5d: {  	_ =	shalt  }
0x5e: {  	_ =	shalt  }
0x5f: {  	_ =	shalt  }
0x60: {  	_ =	shalt  }
0x61: {  	_ =	shalt  }
0x62: {  	_ =	shalt  }
0x63: {  	_ =	shalt  }
0x64: {  	_ =	shalt  }
0x65: {  	_ =	shalt  }
0x66: {  	_ =	shalt  }
0x67: {  	_ =	shalt  }
0x68: {  	_ =	shalt  }
0x69: {  	_ =	shalt  }
0x6a: {  	_ =	shalt  }
0x6b: {  	_ =	shalt  }
0x6c: {  	_ =	shalt  }
0x6d: {  	_ =	shalt  }
0x6e: {  	_ =	shalt  }
0x6f: {  	_ =	shalt  }
0x70: {  	_ =	shalt  }
0x71: {  	_ =	shalt  }
0x72: {  	_ =	shalt  }
0x73: {  	_ =	shalt  }
0x74: {  	_ =	shalt  }
0x75: {  	_ =	shalt  }
0x76: {  	_ =	shalt  }
0x77: {  	_ =	shalt  }
0x78: {  	_ =	shalt  }
0x79: {  	_ =	shalt  }
0x7a: {  	_ =	shalt  }
0x7b: {  	_ =	shalt  }
0x7c: {  	_ =	shalt  }
0x7d: {  	_ =	shalt  }
0x7e: {  	_ =	shalt  }
0x7f: {  	_ =	shalt  }
0x80: {  	_ =	shalt  }
0x81: {  	_ =	shalt  }
0x82: {  	_ =	shalt  }
0x83: {  	_ =	shalt  }
0x84: {  	_ =	shalt  }
0x85: {  	_ =	shalt  }
0x86: {  	_ =	shalt  }
0x87: {  	_ =	shalt  }
.Lfunc_end0:
.L_simem_size_0:
called_computation_lowered:
.L_overlay_start_0:
0x88: {  	s2 =	sld [smem:$0x3FD9]  }
0x89: {  	s3 =	sld [smem:$0x3FFE];
	_ =	sdelay $0x1  }
0x8a: {  	s1 =	srdreg.scid  }
0x8b: {  	s0 =	sand.u32 $0x1, s1  }
0x8c: {  	s17 =	sshll.u32 s0, $0xA;
	s2 =	sadd.s32 s3, s2  }
0x8d: {  	s2 =	sadd.s32 s2, s17  }
0x8e: {  	[smem:$0x3FC4] =	sst s2  }
0x8f: {  	_ = 	snop  }
0x90: {  	s2 =	sld [smem:$0x3FD0];
	(tm) =	ssettm $0x1  }
0x91: {  	s18 =	sld [smem:$0x3FFB];
	_ =	sdelay $0x3  }
0x92: {  	_ =	strace s18  }
0x93: {  	s3 =	sld [smem:$0x3FFC];
	_ =	sdelay $0x3  }
0x94: {  	_ =	strace s3  }
0x95: {  	s3 =	sld [smem:$0x3FFD];
	_ =	sdelay $0x3  }
0x96: {  	_ =	strace s3  }
0x97: {  	_ =	strace $0x8FFFFFFF  }
0x98: {  	s19 =	sld [smem:$0x3FDB];
	_ =	sdelay $0x1  }
0x99: {  	s4 =	simm.s32 $_scs_section_size  }
0x9a: {  	s5 =	simm.s32 $_size__tile_overlayer_lowered;
	s6 =	simm.s32 $_tile_overlayer_lowered  }
0x9b: {  	s22 =	simm.s32 $0x1BFF;
	s21 =	sshll.u32 s6, $0x1;
	s3 =	sadd.s32 s4, s19  }
0x9c: {  	s7 =	simm.s32 $0x0;
	s20 =	sshll.u32 s5, $0x1;
	s5 =	sadd.s32 s21, s3  }
0x9d: {  	[timem:s7], [sflag:s22] =	dma.local [hbm:s5], s20  }
0x9e: {  	_ =	swait.ge [sflag:s22], s20  }
0x9f: {  	s4 =	ssub.s32 $0x0, s20;
	[sflag:s22] =	ssyncset.done $0x0  }
0xa0: {  	[sflag:s22] =	ssyncadd.s32 s4;
	_ =	sdelay $0x1  }
0xa1: {  	s23 =	simm.s32 $0x1B8B  }
0xa2: {  	_ =	swait.ge [sflag:s23], $0x1  }
0xa3: {  	[sflag:s23] =	ssyncset.done $0x0  }
0xa4: {  	s25 =	simm.s32 $0x1B8E;
	s24 =	sld [smem:$0x3FFE];
	[sflag:s23] =	ssyncadd.s32 $0xFFFFFFFF  }
0xa5: {  	s26 =	simm.s32 $execute0_lowered;
	[smem:$0x3FD2] =	sst s25  }
0xa6: {  	s5 =	sshll.u32 s26, $0x1;
	_ =	strace $0x80000046;
	[dreg:$0x1] =	wrdreg $0xFFFFFFFF  }
0xa7: {  	s28 =	simm.s32 $_size_execute0_lowered;
	s3 =	sadd.s32 s3, s5;
	[dreg:$0x0] =	wrdreg $0x0  }
0xa8: {  	s5 =	sshll.u32 s28, $0x1;
	[dreg:$0x2] =	wrdreg s3  }
0xa9: {  	[dreg:$0x3] =	wrdreg s5  }
0xaa: {  	[dreg:$0x4] =	wrdreg $0xC0  }
0xab: {  	_ =	task [dreg:s7], $0x5FFFF  }
0xac: {  	[dreg:$0x1] =	wrdreg $0xFFFFFFFF  }
0xad: {  	[dreg:$0x0] =	wrdreg $0x60  }
0xae: {  	[dreg:$0x2] =	wrdreg s2  }
0xaf: {  	[dreg:$0x3] =	wrdreg s24  }
0xb0: {  	[dreg:$0x4] =	wrdreg $0x9  }
0xb1: {  	_ =	task.clear_ibuf [dreg:s7], $0x5FFFF;
	_ =	strace $0x90000046  }
0xb2: {  	s29 =	simm.s32 $0x9;
	_ =	strace $0x80000048  }
0xb3: {  	_ =	swait.ge [sflag:s29], $0x1  }
0xb4: {  	[sflag:s29] =	ssyncadd.s32 $0xFFFFFFFF  }
0xb5: {  	_ =	strace $0x90000048  }
0xb6: {  	_ =	sfence  }
0xb7: {  	s30 =	sld [smem:$0x0];
	_ =	sdelay $0x2  }
0xb8: {  	s31 =	sshll.u32 s1, $0xD;
	s1 =	sshrl.u32 s1, $0x2  }
0xb9: {  	s3 =	sand.u32 $0x4000, s31;
	s1 =	sadd.s32 s1, s30  }
0xba: {  	s0 =	sor.u32 s3, s0;
	s1 =	sshll.u32 s1, $0x11  }
0xbb: {  	s0 =	sor.u32 s1, s0  }
0xbc: {  	s0 =	sadd.s32 $0x8F2B, s0  }
0xbd: {  	[sflag:s0] =	ssyncadd.remote.s32 $0x1  }
0xbe: {  	_ =	sfence.sel $0xFFFF  }
0xbf: {  	[dreg:$0x0] =	wrdreg $0xFFFFFFFF;
	(pc) =	sbr.abs _section_cstart, $3  }
0xc0: {  	[dreg:$0x1] =	wrdreg $0xFFFFFFFF  }
0xc1: {  	_ =	task.clear_ibuf [dreg:s7], $0x2FFFF;
	_ =	strace $0x9FFFFFFF  }
0xc2: {  	(tm) =	ssettm $0x7FFFFFFF  }
0xc3: {  	_ =	shalt  }
tec
execute0_lowered:
.L_overlay_start_1:
0x0: {  	(tag) =	ssettag $0x1  }
0x1: {  	s1 =	srdreg.scid;
	s0 =	stileid.u32  }
0x2: {  	s16 =	sand.u32 $0x1, s1;
	s29 =	sshll.u32 s0, $0x1  }
0x3: {  	s10 =	sor.u32 s16, s29  }
0x4: {  	s2 =	rddreg [dreg:$0x0];
	s4 =	smul.u32 $0xC8, s10  }
0x5: {  	s9 =	rddreg [dreg:$0x1];
	s3 =	simm.s32 $0x0  }
0x6: {  	s5 =	simm.s32 $0x3;
	[smem:$0x7FF] =	sst s3;
	s4 =	sadd.s32 s4, s9  }
0x7: {  	s1 =	rddreg [dreg:$0x2];
	_ =	strace $0x80000047;
	s4 =	sadd.s32 $0xA00, s4  }
0x8: {  	[tilespmem:s3], [sflag:$0x3] =	stream.linear.gather [hbm4b:s4+s3], $0x640, $0x38;
	[tilespmem:$0x19640] =	vst v63  }
0x9: {  	_ =	swait.ge [sflag:s5], $0x640  }
0xa: {  	s6 =	simm.s32 $0x190;
	[sflag:s5] =	ssyncset.done $0x0  }
0xb: {  	s7 =	simm.s32 $0x640;
	s8 =	simm.s32 $0x1;
	[sflag:s5] =	ssyncadd.s32 $0xFFFFF9C0  }
0xc: {  	[tilespmem:s7], [sflag:$0x1] =	stream.indirect.gather [hbm4b:s2+s6], $0x80, s3, s6, $0xb8;
	[tilespmem:$0x19640] =	vst v63  }
0xd: {  	s11 =	smul.u32 $0x6400, s10;
	_ =	swait.ge [sflag:s8], $0xC800  }
0xe: {  	s12 =	sadd.s32 $0x2400, s9;
	[sflag:s8] =	ssyncset.done $0x0  }
0xf: {  	s9 =	sadd.s32 s12, s11;
	[sflag:s8] =	ssyncadd.s32 $0xFFFF3800  }
0x10: {  	[hbm4b:s9+s3] =	stream.linear.scatter [tilespmem:s7], [sflag:$0x2], $0xC800, $0x38;
	[tilespmem:$0x19640] =	vst v63  }
0x11: {  	s30 =	smul.u32 $0x32000, s10;
	s10 =	simm.s32 $0xCE40  }
0x12: {  	[tilespmem:s10], [sflag:$0x1] =	stream.indirect.gather [hbm4b:s2+s6], $0x80, s6, s6, $0xb8;
	[tilespmem:$0x19640] =	vst v63  }
0x13: {  	s11 =	sshrl.u32 s30, $0x3;
	_ =	swait.ge [sflag:s8], $0xC800  }
0x14: {  	s17 =	sadd.s32 s12, s11;
	[sflag:s8] =	ssyncset.done $0x0  }
0x15: {  	s11 =	simm.s32 $0x2;
	s12 =	sadd.s32 $0x1900, s17;
	[sflag:s8] =	ssyncadd.s32 $0xFFFF3800  }
0x16: {  	[hbm4b:s12+s3] =	stream.linear.scatter [tilespmem:s10], [sflag:$0x2], $0xC800, $0x38;
	[tilespmem:$0x19640] =	vst v63  }
0x17: {  	_ =	swait.ge [sflag:s11], $0xC800  }
0x18: {  	[sflag:s11] =	ssyncset.done $0x0  }
0x19: {  	s13 =	simm.s32 $0x320;
	[sflag:s11] =	ssyncadd.s32 $0xFFFF3800  }
0x1a: {  	[tilespmem:s7], [sflag:$0x1] =	stream.indirect.gather [hbm4b:s2+s6], $0x80, s13, s6, $0xb8;
	[tilespmem:$0x19640] =	vst v63  }
0x1b: {  	_ =	swait.ge [sflag:s8], $0xC800  }
0x1c: {  	[sflag:s8] =	ssyncset.done $0x0  }
0x1d: {  	s14 =	sadd.s32 $0x3200, s17;
	[sflag:s8] =	ssyncadd.s32 $0xFFFF3800  }
0x1e: {  	[hbm4b:s14+s3] =	stream.linear.scatter [tilespmem:s7], [sflag:$0x2], $0xC800, $0x38;
	[tilespmem:$0x19640] =	vst v63  }
0x1f: {  	_ =	swait.ge [sflag:s11], $0xC800  }
0x20: {  	s18 =	ssub.s32 $0x2, s16;
	[sflag:s11] =	ssyncset.done $0x0  }
0x21: {  	s15 =	simm.s32 $0x4B0;
	s31 =	sshrl.u32 s18, $0x1;
	[sflag:s11] =	ssyncadd.s32 $0xFFFF3800  }
0x22: {  	[tilespmem:s10], [sflag:$0x1] =	stream.indirect.gather [hbm4b:s2+s6], $0x80, s15, s6, $0xb8;
	[tilespmem:$0x19640] =	vst v63  }
0x23: {  	s16 =	sadd.s32 $0x4B00, s17;
	s17 =	ssub.s32 s18, s31;
	_ =	swait.ge [sflag:s8], $0xC800  }
0x24: {  	s17 =	smax.u32 s17, $0x1;
	[sflag:s8] =	ssyncset.done $0x0  }
0x25: {  	p0 =	sne.s32 s17, $0x1;
	[sflag:s8] =	ssyncadd.s32 $0xFFFF3800  }
0x26: {  	[hbm4b:s16+s3] =	stream.linear.scatter [tilespmem:s10], [sflag:$0x2], $0xC800, $0x38;
	[tilespmem:$0x19640] =	vst v63  }
.Ltmp0:
0x27: {  	_ =	swait.ge [sflag:s11], $0xC800;
	(pc) =	sbr.rel @!p0 .LBB2_2-.Ltmp0, $4  }
0x28: {  	[sflag:s11] =	ssyncset.done $0x0  }
0x29: {  	[sflag:s11] =	ssyncadd.s32 $0xFFFF3800  }
0x2a: {  	_ =	swait.ge [sflag:s11], $0xC800  }
0x2b: {  	s17 =	sadd.s32 $0xFFFFFFFF, s17;
	[sflag:s11] =	ssyncset.done $0x0  }
.LBB2_1:
0x2c: {  	p0 =	sne.s32 s17, $0x1;
	s17 =	sadd.s32 $0xFFFFFFFF, s17;
	[sflag:s11] =	ssyncadd.s32 $0xFFFF3800  }
0x2d: {  	[tilespmem:s3], [sflag:$0x3] =	stream.linear.gather [hbm4b:s4+s3], $0x640, $0x38;
	[tilespmem:$0x19640] =	vst v63  }
0x2e: {  	_ =	swait.ge [sflag:s5], $0x640  }
0x2f: {  	[sflag:s5] =	ssyncset.done $0x0  }
0x30: {  	[sflag:s5] =	ssyncadd.s32 $0xFFFFF9C0  }
0x31: {  	[tilespmem:s7], [sflag:$0x1] =	stream.indirect.gather [hbm4b:s2+s6], $0x80, s3, s6, $0xb8;
	[tilespmem:$0x19640] =	vst v63  }
0x32: {  	_ =	swait.ge [sflag:s8], $0xC800  }
0x33: {  	[sflag:s8] =	ssyncset.done $0x0  }
0x34: {  	[sflag:s8] =	ssyncadd.s32 $0xFFFF3800  }
0x35: {  	[hbm4b:s9+s3] =	stream.linear.scatter [tilespmem:s7], [sflag:$0x2], $0xC800, $0x38;
	[tilespmem:$0x19640] =	vst v63  }
0x36: {  	_ = 	snop  }
0x37: {  	[tilespmem:s10], [sflag:$0x1] =	stream.indirect.gather [hbm4b:s2+s6], $0x80, s6, s6, $0xb8;
	[tilespmem:$0x19640] =	vst v63  }
0x38: {  	_ =	swait.ge [sflag:s8], $0xC800  }
0x39: {  	[sflag:s8] =	ssyncset.done $0x0  }
0x3a: {  	[sflag:s8] =	ssyncadd.s32 $0xFFFF3800  }
0x3b: {  	[hbm4b:s12+s3] =	stream.linear.scatter [tilespmem:s10], [sflag:$0x2], $0xC800, $0x38;
	[tilespmem:$0x19640] =	vst v63  }
0x3c: {  	_ =	swait.ge [sflag:s11], $0xC800  }
0x3d: {  	[sflag:s11] =	ssyncset.done $0x0  }
0x3e: {  	[sflag:s11] =	ssyncadd.s32 $0xFFFF3800  }
0x3f: {  	[tilespmem:s7], [sflag:$0x1] =	stream.indirect.gather [hbm4b:s2+s6], $0x80, s13, s6, $0xb8;
	[tilespmem:$0x19640] =	vst v63  }
0x40: {  	_ =	swait.ge [sflag:s8], $0xC800  }
0x41: {  	[sflag:s8] =	ssyncset.done $0x0  }
0x42: {  	[sflag:s8] =	ssyncadd.s32 $0xFFFF3800  }
0x43: {  	[hbm4b:s14+s3] =	stream.linear.scatter [tilespmem:s7], [sflag:$0x2], $0xC800, $0x38;
	[tilespmem:$0x19640] =	vst v63  }
0x44: {  	_ =	swait.ge [sflag:s11], $0xC800  }
0x45: {  	[sflag:s11] =	ssyncset.done $0x0  }
0x46: {  	[sflag:s11] =	ssyncadd.s32 $0xFFFF3800  }
0x47: {  	[tilespmem:s10], [sflag:$0x1] =	stream.indirect.gather [hbm4b:s2+s6], $0x80, s15, s6, $0xb8;
	[tilespmem:$0x19640] =	vst v63  }
0x48: {  	_ =	swait.ge [sflag:s8], $0xC800  }
0x49: {  	[sflag:s8] =	ssyncset.done $0x0  }
0x4a: {  	[sflag:s8] =	ssyncadd.s32 $0xFFFF3800  }
0x4b: {  	[hbm4b:s16+s3] =	stream.linear.scatter [tilespmem:s10], [sflag:$0x2], $0xC800, $0x38;
	[tilespmem:$0x19640] =	vst v63  }
.Ltmp1:
0x4c: {  	_ =	swait.ge [sflag:s11], $0xC800;
	(pc) =	sbr.rel @p0 .LBB2_1-.Ltmp1, $4  }
0x4d: {  	[sflag:s11] =	ssyncset.done $0x0  }
0x4e: {  	[sflag:s11] =	ssyncadd.s32 $0xFFFF3800  }
0x4f: {  	_ =	swait.ge [sflag:s11], $0xC800  }
0x50: {  	[sflag:s11] =	ssyncset.done $0x0  }
.LBB2_2:
0x51: {  	[sflag:s11] =	ssyncadd.s32 $0xFFFF3800  }
0x52: {  	_ =	sfence.sel $0x180000  }
0x53: {  	[bflag:$0x0] =	sbarrier.arrive $0xFFFF  }
0x54: {  	p0 =	sne.s32 s0, $0x0;
	_ =	strace $0x90000047  }
0x55: {  	s0 =	sadd.s32 @!p0 $0x100000, s1;
	[bflag:$0x2] =	sbarrier.arrive $0xFFFF  }
0x56: {  	[sflag:s0] =	ssyncadd.tile.s32 @!p0 $0x1;
	_ =	shalt  }
.Lfunc_end2:
_tile_overlayer_lowered:
.L_overlay_start_2:
0x57: {  	(tag) =	ssettag $0x2  }
0x58: {  	s0 =	rddreg [dreg:$0x0];
	s2 =	stileid.u32  }
0x59: {  	s1 =	rddreg [dreg:$0x1];
	p0 =	sne.s32 s2, $0x0  }
0x5a: {  	s3 =	rddreg [dreg:$0x2];
	[bflag:$0x3] =	sbarrier.arrive $0xFFFF;
	s2 =	simm.s32 @!p0 $0x1C03  }
0x5b: {  	[timem:s3], [sflag:s2] =	dma.local @!p0 [hbm:s0], s1  }
0x5c: {  	s0 =	simm.s32 @!p0 $0x3  }
0x5d: {  	_ =	swait.ge @!p0 [sflag:s0], s1  }
0x5e: {  	s1 =	ssub.s32 @!p0 $0x0, s1;
	[sflag:s0] =	ssyncset.done @!p0 $0x0  }
0x5f: {  	[sflag:s0] =	ssyncadd.s32 @!p0 s1  }
0x60: {  	[bflag:$0x3] =	sbarrier.arrive $0xFFFF  }
0x61: {  	_ =	shalt  }

</sc_bundles>
